<compile_context>
chip_gen: v7x
topology: tpu7x:2x2x1
jax: 0.10.2.dev20260603
libtpu: 0.0.44.dev20260713+nightly
codegen_flags: <defaults>
</compile_context>

<pallas_src>
import functools

import jax
import jax.numpy as jnp
from jax import lax
from jax.experimental import pallas as pl
from jax.experimental.pallas import tpu as pltpu
from jax.experimental.pallas import tpu_sc as plsc

_N = 65536
_C = 1000
_CPAD = 1024
_S = 4096
_NB = _N // _S
_NC = 2
_NS = 16
_NW = _NC * _NS
_CHUNK = _N // _NW
_STEPS = _CHUNK // 16


def _pt_body(l_ref, t_ref, pt_ref, lg_ref):
    l = l_ref[...]
    t = t_ref[...]
    m = jnp.max(l, axis=0, keepdims=True)
    s = jnp.sum(jnp.exp(l - m), axis=0, keepdims=True)
    rows = lax.broadcasted_iota(jnp.int32, (_C, _S), 0)
    lt = jnp.sum(jnp.where(rows == t, l, 0.0), axis=0, keepdims=True)
    pt = jnp.exp(lt - m) / s
    pt_ref[...] = pt
    lg_ref[...] = jnp.log(pt + 1e-6)


def _pt_pass(lT, t2d, interpret=False):
    return pl.pallas_call(
        _pt_body,
        grid=(_NB,),
        in_specs=[
            pl.BlockSpec((_C, _S), lambda i: (0, i)),
            pl.BlockSpec((1, _S), lambda i: (0, i)),
        ],
        out_specs=[
            pl.BlockSpec((1, _S), lambda i: (0, i)),
            pl.BlockSpec((1, _S), lambda i: (0, i)),
        ],
        out_shape=[
            jax.ShapeDtypeStruct((1, _N), jnp.float32),
            jax.ShapeDtypeStruct((1, _N), jnp.float32),
        ],
        compiler_params=pltpu.CompilerParams(
            vmem_limit_bytes=100 * 1024 * 1024,
        ),
        interpret=interpret,
    )(lT, t2d)


def _seg_body(pt_hbm, lg_hbm, t_hbm, cnt_out, s1_out, s2_out, sl_out,
              pt_v, lg_v, t_v, cnt_v, s1_v, s2_v, sl_v, sem_in, sem_out):
    wid = lax.axis_index("s") * _NC + lax.axis_index("c")
    base = wid * _CHUNK
    cp_pt = pltpu.async_copy(pt_hbm.at[pl.ds(base, _CHUNK)], pt_v, sem_in)
    cp_lg = pltpu.async_copy(lg_hbm.at[pl.ds(base, _CHUNK)], lg_v, sem_in)
    cp_t = pltpu.async_copy(t_hbm.at[pl.ds(base, _CHUNK)], t_v, sem_in)

    zeros16 = jnp.zeros((16,), jnp.float32)

    def zbody(i, carry):
        sl16 = pl.ds(i * 16, 16)
        cnt_v[sl16] = zeros16
        s1_v[sl16] = zeros16
        s2_v[sl16] = zeros16
        sl_v[sl16] = zeros16
        return carry

    lax.fori_loop(0, _CPAD // 16, zbody, 0)
    cp_pt.wait()
    cp_lg.wait()
    cp_t.wait()

    ones16 = jnp.full((16,), 1.0, jnp.float32)

    def body(i, carry):
        sl16 = pl.ds(i * 16, 16)
        t16 = t_v[sl16]
        p16 = pt_v[sl16]
        g16 = lg_v[sl16]
        plsc.addupdate_scatter(cnt_v, [t16], ones16)
        plsc.addupdate_scatter(s1_v, [t16], p16)
        plsc.addupdate_scatter(s2_v, [t16], p16 * p16)
        plsc.addupdate_scatter(sl_v, [t16], g16)
        return carry

    lax.fori_loop(0, _STEPS, body, 0)

    wr_cnt = pltpu.async_copy(cnt_v, cnt_out.at[wid], sem_out)
    wr_s1 = pltpu.async_copy(s1_v, s1_out.at[wid], sem_out)
    wr_s2 = pltpu.async_copy(s2_v, s2_out.at[wid], sem_out)
    wr_sl = pltpu.async_copy(sl_v, sl_out.at[wid], sem_out)
    wr_cnt.wait()
    wr_s1.wait()
    wr_s2.wait()
    wr_sl.wait()


@functools.cache
def _make_seg_call():
    return functools.partial(
        pl.kernel,
        mesh=plsc.VectorSubcoreMesh(core_axis_name="c", subcore_axis_name="s"),
        compiler_params=pltpu.CompilerParams(needs_layout_passes=False),
        out_type=[jax.ShapeDtypeStruct((_NW, _CPAD), jnp.float32)] * 4,
        scratch_types=[
            pltpu.VMEM((_CHUNK,), jnp.float32),
            pltpu.VMEM((_CHUNK,), jnp.float32),
            pltpu.VMEM((_CHUNK,), jnp.int32),
            pltpu.VMEM((_CPAD,), jnp.float32),
            pltpu.VMEM((_CPAD,), jnp.float32),
            pltpu.VMEM((_CPAD,), jnp.float32),
            pltpu.VMEM((_CPAD,), jnp.float32),
            pltpu.SemaphoreType.DMA,
            pltpu.SemaphoreType.DMA,
        ],
    )(_seg_body)


def _final_body(cnt_ref, s1_ref, s2_ref, sl_ref, out_ref):
    cnt = jnp.sum(cnt_ref[...], axis=0, keepdims=True)
    s1 = jnp.sum(s1_ref[...], axis=0, keepdims=True)
    s2 = jnp.sum(s2_ref[...], axis=0, keepdims=True)
    sl = jnp.sum(sl_ref[...], axis=0, keepdims=True)
    idx = lax.broadcasted_iota(jnp.int32, (1, _CPAD), 1)
    valid = idx < _C
    nz = cnt > 0.0
    csafe = jnp.where(nz, cnt, 1.0)
    cmax = jnp.max(cnt)
    alpha = jnp.where(nz, jnp.log(cmax / csafe) + 1.0, 0.0)
    p_avg1 = jnp.where(nz, -sl / csafe, 1.0)
    loss1 = p_avg1 * alpha
    loss1_mean = jnp.sum(jnp.where(valid, loss1, 0.0)) / _C
    mean = jnp.where(nz, s1 / csafe, 1.0)
    gt1 = cnt > 1.0
    denom = jnp.where(gt1, cnt - 1.0, 1.0)
    var = (s2 - cnt * mean * mean) / denom
    std = jnp.where(gt1, jnp.sqrt(jnp.maximum(var, 1e-12)), 0.0)
    am = jnp.max(jnp.where(valid, alpha, -1e30))
    ea = jnp.where(valid, jnp.exp(alpha - am), 0.0)
    asm = ea / jnp.sum(ea)
    loss2_c = std / mean * asm
    loss2_mean = jnp.sum(cnt * loss2_c) / _N
    out_ref[...] = jnp.full((1, 1), loss1_mean + loss2_mean, jnp.float32)


def _final_pass(cnt_p, s1_p, s2_p, sl_p, interpret=False):
    return pl.pallas_call(
        _final_body,
        out_shape=jax.ShapeDtypeStruct((1, 1), jnp.float32),
        interpret=interpret,
    )(cnt_p, s1_p, s2_p, sl_p)


@jax.jit
def kernel(logits, target):
    logits = logits.reshape(-1, _C)
    t = target.reshape(-1).astype(jnp.int32)
    pt2d, lg2d = _pt_pass(logits.T, t.reshape(1, -1))
    pt = pt2d.reshape(-1)
    lg = lg2d.reshape(-1)
    cnt_p, s1_p, s2_p, sl_p = _make_seg_call()(pt, lg, t)
    out = _final_pass(cnt_p, s1_p, s2_p, sl_p)
    return out[0, 0]

# --- scband reference (transcript-rebuilt; emitter-appended) ---
"""Pipeline reference for scband-awb-23175643529520 (READ-ONLY COPY).

The authoritative reference and input builder live on the scoring server;
editing this copy changes nothing except your own understanding.
"""

import jax, jax.numpy as jnp
import numpy as np

NUM_CLASSES = 1000
N_SAMPLES = 65536


def setup_inputs(seed: int = 0) -> dict:
    key = jax.random.key(seed)
    k1, k2 = jax.random.split(key)
    logits = jax.random.normal(k1, (N_SAMPLES, NUM_CLASSES), dtype=jnp.float32)
    target = jax.random.randint(k2, (N_SAMPLES,), 0, NUM_CLASSES, dtype=jnp.int64 if jax.config.jax_enable_x64 else jnp.int32)
    return {"logits": logits, "target": target}


def _awb(logits, target):
    C = NUM_CLASSES
    logits = logits.reshape(-1, logits.shape[-1])
    t = target.reshape(-1)
    # pt = softmax prob of the ground-truth class
    pt1 = jax.nn.softmax(logits, axis=1)
    pt = jnp.take_along_axis(pt1, t[:, None], axis=1).reshape(-1)
    # class counts
    c_sum = jnp.bincount(t, length=C).astype(jnp.float32)
    c_max = c_sum.max()
    c_safe = jnp.where(c_sum > 0, c_sum, 1.0)
    Alpha = jnp.where(c_sum > 0, jnp.log(c_max / c_safe) + 1.0, 0.0)
    # loss1: per-class mean of -log(pt + 1e-6), empty class -> 1
    loss1_vec = -jnp.log(pt + 1e-6)
    seg_sum1 = jax.ops.segment_sum(loss1_vec, t, num_segments=C)
    p_avg_loss1 = jnp.where(c_sum > 0, seg_sum1 / c_safe, 1.0)
    loss1 = p_avg_loss1 * Alpha
    # loss2: per-class std/avg of pt (std unbiased ddof=1; empty->avg 1; count<=1 -> std 0)
    s1 = jax.ops.segment_sum(pt, t, num_segments=C)
    s2 = jax.ops.segment_sum(pt * pt, t, num_segments=C)
    mean = jnp.where(c_sum > 0, s1 / c_safe, 1.0)
    denom = jnp.where(c_sum > 1, c_sum - 1.0, 1.0)
    var = (s2 - c_sum * mean * mean) / denom
    var_safe = jnp.where(c_sum > 1, jnp.maximum(var, 1e-12), 1.0)
    std = jnp.where(c_sum > 1, jnp.sqrt(var_safe), 0.0)
    Alpha_sm = jax.nn.softmax(Alpha, axis=0)
    loss2_c = std / mean * Alpha_sm
    loss2 = loss2_c[t]
    return loss1.mean() + loss2.mean()


def reference(logits, target):
    return _awb(logits, target)

if __name__ == "__main__":
    import jax
    _d = setup_inputs()
    print(jax.jit(kernel)(*tuple(_d.values())))

</pallas_src>

<mosaic_0001>
#map = affine_map<(d0, d1) -> (0)>
#map1 = affine_map<(d0, d1) -> (0, 0)>
module attributes {stable_mosaic.version = 14 : i64} {
  func.func @_seg_body(%arg0: i32, %arg1: i32, %arg2: memref<65536xf32, #tpu.memory_space<hbm>>, %arg3: memref<65536xf32, #tpu.memory_space<hbm>>, %arg4: memref<65536xi32, #tpu.memory_space<hbm>>, %arg5: memref<32x1024xf32, #tpu.memory_space<hbm>>, %arg6: memref<32x1024xf32, #tpu.memory_space<hbm>>, %arg7: memref<32x1024xf32, #tpu.memory_space<hbm>>, %arg8: memref<32x1024xf32, #tpu.memory_space<hbm>>, %arg9: memref<2048xf32, #tpu.memory_space<vmem>>, %arg10: memref<2048xf32, #tpu.memory_space<vmem>>, %arg11: memref<2048xi32, #tpu.memory_space<vmem>>, %arg12: memref<1024xf32, #tpu.memory_space<vmem>>, %arg13: memref<1024xf32, #tpu.memory_space<vmem>>, %arg14: memref<1024xf32, #tpu.memory_space<vmem>>, %arg15: memref<1024xf32, #tpu.memory_space<vmem>>, %arg16: memref<!tpu.dma_semaphore, #tpu.memory_space<semaphore_mem>>, %arg17: memref<!tpu.dma_semaphore, #tpu.memory_space<semaphore_mem>>) attributes {dimension_semantics = [#tpu.dimension_semantics<core_parallel>, #tpu.dimension_semantics<subcore_parallel>], iteration_bounds = array<i64: 2, 16>, scalar_prefetch = 0 : i64, scratch_operands = 9 : i64, tpu.core_type = #tpu.core_type<sc_vector_subcore>, window_params = [{transform_indices = #map}, {transform_indices = #map}, {transform_indices = #map}, {transform_indices = #map1}, {transform_indices = #map1}, {transform_indices = #map1}, {transform_indices = #map1}]} {
    %mul3A = arith.constant 2 : i32
    %mul3A_0 = arith.muli %arg1, %mul3A : i32
    %add3A = arith.addi %mul3A_0, %arg0 : i32
    %mul3A_1 = arith.constant 2048 : i32
    %mul3A_2 = arith.muli %add3A, %mul3A_1 : i32
    %dma_start3A = tpu.memref_slice %arg2[%mul3A_2] : memref<65536xf32, #tpu.memory_space<hbm>> -> memref<2048xf32, #tpu.memory_space<hbm>>
    %dma_start3A_3 = tpu.memref_slice %arg2[%mul3A_2] : memref<65536xf32, #tpu.memory_space<hbm>> -> memref<2048xf32, #tpu.memory_space<hbm>>
    tpu.enqueue_dma source(%dma_start3A_3 : memref<2048xf32, #tpu.memory_space<hbm>>) target(%arg9 : memref<2048xf32, #tpu.memory_space<vmem>>) target_semaphore(%arg16 : memref<!tpu.dma_semaphore, #tpu.memory_space<semaphore_mem>>)
    %dma_start3A_4 = tpu.memref_slice %arg3[%mul3A_2] : memref<65536xf32, #tpu.memory_space<hbm>> -> memref<2048xf32, #tpu.memory_space<hbm>>
    %dma_start3A_5 = tpu.memref_slice %arg3[%mul3A_2] : memref<65536xf32, #tpu.memory_space<hbm>> -> memref<2048xf32, #tpu.memory_space<hbm>>
    tpu.enqueue_dma source(%dma_start3A_5 : memref<2048xf32, #tpu.memory_space<hbm>>) target(%arg10 : memref<2048xf32, #tpu.memory_space<vmem>>) target_semaphore(%arg16 : memref<!tpu.dma_semaphore, #tpu.memory_space<semaphore_mem>>)
    %dma_start3A_6 = tpu.memref_slice %arg4[%mul3A_2] : memref<65536xi32, #tpu.memory_space<hbm>> -> memref<2048xi32, #tpu.memory_space<hbm>>
    %dma_start3A_7 = tpu.memref_slice %arg4[%mul3A_2] : memref<65536xi32, #tpu.memory_space<hbm>> -> memref<2048xi32, #tpu.memory_space<hbm>>
    tpu.enqueue_dma source(%dma_start3A_7 : memref<2048xi32, #tpu.memory_space<hbm>>) target(%arg11 : memref<2048xi32, #tpu.memory_space<vmem>>) target_semaphore(%arg16 : memref<!tpu.dma_semaphore, #tpu.memory_space<semaphore_mem>>)
    %broadcast_in_dim3A = arith.constant 0.000000e+00 : f32
    %broadcast_in_dim3A_8 = vector.broadcast %broadcast_in_dim3A : f32 to vector<16xf32>
    %scan3A = arith.constant 0 : i32
    %scan3A_9 = arith.constant 0 : i32
    %scan3A_10 = arith.constant 64 : i32
    %scan3A_11 = arith.addi %scan3A_9, %scan3A_10 : i32
    %scan3A_12 = arith.constant 1 : i32
    scf.for %scan3A_75 = %scan3A_9 to %scan3A_11 step %scan3A_12  : i32 {
      %mul3A_76 = arith.constant 16 : i32
      %mul3A_77 = arith.muli %scan3A_75, %mul3A_76 : i32
      %swap3A = arith.index_cast %mul3A_77 : i32 to index
      %swap3A_78 = tpu.vector_load %arg12[%swap3A] {strides = array<i32>} : memref<1024xf32, #tpu.memory_space<vmem>>, vector<16xf32>,
      tpu.vector_store %arg12[%swap3A], %broadcast_in_dim3A_8 {strides = array<i32>} : memref<1024xf32, #tpu.memory_space<vmem>>, vector<16xf32>,
      %swap3A_79 = arith.index_cast %mul3A_77 : i32 to index
      %swap3A_80 = tpu.vector_load %arg13[%swap3A_79] {strides = array<i32>} : memref<1024xf32, #tpu.memory_space<vmem>>, vector<16xf32>,
      tpu.vector_store %arg13[%swap3A_79], %broadcast_in_dim3A_8 {strides = array<i32>} : memref<1024xf32, #tpu.memory_space<vmem>>, vector<16xf32>,
      %swap3A_81 = arith.index_cast %mul3A_77 : i32 to index
      %swap3A_82 = tpu.vector_load %arg14[%swap3A_81] {strides = array<i32>} : memref<1024xf32, #tpu.memory_space<vmem>>, vector<16xf32>,
      tpu.vector_store %arg14[%swap3A_81], %broadcast_in_dim3A_8 {strides = array<i32>} : memref<1024xf32, #tpu.memory_space<vmem>>, vector<16xf32>,
      %swap3A_83 = arith.index_cast %mul3A_77 : i32 to index
      %swap3A_84 = tpu.vector_load %arg15[%swap3A_83] {strides = array<i32>} : memref<1024xf32, #tpu.memory_space<vmem>>, vector<16xf32>,
      tpu.vector_store %arg15[%swap3A_83], %broadcast_in_dim3A_8 {strides = array<i32>} : memref<1024xf32, #tpu.memory_space<vmem>>, vector<16xf32>,
    }
    %scan3A_13 = arith.constant 64 : i32
    %dma_wait3A = tpu.memref_slice %arg2[%mul3A_2] : memref<65536xf32, #tpu.memory_space<hbm>> -> memref<2048xf32, #tpu.memory_space<hbm>>
    %dma_wait3A_14 = tpu.memref_slice %arg2[%mul3A_2] : memref<65536xf32, #tpu.memory_space<hbm>> -> memref<2048xf32, #tpu.memory_space<hbm>>
    tpu.wait_dma2 semaphore(%arg16 : memref<!tpu.dma_semaphore, #tpu.memory_space<semaphore_mem>>) src(%dma_wait3A_14 : memref<2048xf32, #tpu.memory_space<hbm>>) dst(%arg9 : memref<2048xf32, #tpu.memory_space<vmem>>)
    %dma_wait3A_15 = tpu.memref_slice %arg3[%mul3A_2] : memref<65536xf32, #tpu.memory_space<hbm>> -> memref<2048xf32, #tpu.memory_space<hbm>>
    %dma_wait3A_16 = tpu.memref_slice %arg3[%mul3A_2] : memref<65536xf32, #tpu.memory_space<hbm>> -> memref<2048xf32, #tpu.memory_space<hbm>>
    tpu.wait_dma2 semaphore(%arg16 : memref<!tpu.dma_semaphore, #tpu.memory_space<semaphore_mem>>) src(%dma_wait3A_16 : memref<2048xf32, #tpu.memory_space<hbm>>) dst(%arg10 : memref<2048xf32, #tpu.memory_space<vmem>>)
    %dma_wait3A_17 = tpu.memref_slice %arg4[%mul3A_2] : memref<65536xi32, #tpu.memory_space<hbm>> -> memref<2048xi32, #tpu.memory_space<hbm>>
    %dma_wait3A_18 = tpu.memref_slice %arg4[%mul3A_2] : memref<65536xi32, #tpu.memory_space<hbm>> -> memref<2048xi32, #tpu.memory_space<hbm>>
    tpu.wait_dma2 semaphore(%arg16 : memref<!tpu.dma_semaphore, #tpu.memory_space<semaphore_mem>>) src(%dma_wait3A_18 : memref<2048xi32, #tpu.memory_space<hbm>>) dst(%arg11 : memref<2048xi32, #tpu.memory_space<vmem>>)
    %broadcast_in_dim3A_19 = arith.constant 1.000000e+00 : f32
    %broadcast_in_dim3A_20 = vector.broadcast %broadcast_in_dim3A_19 : f32 to vector<16xf32>
    %scan3A_21 = arith.constant 0 : i32
    %scan3A_22 = arith.constant 0 : i32
    %scan3A_23 = arith.constant 128 : i32
    %scan3A_24 = arith.addi %scan3A_22, %scan3A_23 : i32
    %scan3A_25 = arith.constant 1 : i32
    scf.for %scan3A_75 = %scan3A_22 to %scan3A_24 step %scan3A_25  : i32 {
      %mul3A_76 = arith.constant 16 : i32
      %mul3A_77 = arith.muli %scan3A_75, %mul3A_76 : i32
      %get3A = arith.index_cast %mul3A_77 : i32 to index
      %get3A_78 = tpu.vector_load %arg11[%get3A] {strides = array<i32>} : memref<2048xi32, #tpu.memory_space<vmem>>, vector<16xi32>,
      %get3A_79 = arith.index_cast %mul3A_77 : i32 to index
      %get3A_80 = tpu.vector_load %arg9[%get3A_79] {strides = array<i32>} : memref<2048xf32, #tpu.memory_space<vmem>>, vector<16xf32>,
      %get3A_81 = arith.index_cast %mul3A_77 : i32 to index
      %get3A_82 = tpu.vector_load %arg10[%get3A_81] {strides = array<i32>} : memref<2048xf32, #tpu.memory_space<vmem>>, vector<16xf32>,
      tpu.vector_store_idx %arg12[%get3A_78], %broadcast_in_dim3A_20 {add = true} : memref<1024xf32, #tpu.memory_space<vmem>>[vector<16xi32>], vector<16xf32>,
      tpu.vector_store_idx %arg13[%get3A_78], %get3A_80 {add = true} : memref<1024xf32, #tpu.memory_space<vmem>>[vector<16xi32>], vector<16xf32>,
      %mul3A_83 = arith.mulf %get3A_80, %get3A_80 : vector<16xf32>
      tpu.vector_store_idx %arg14[%get3A_78], %mul3A_83 {add = true} : memref<1024xf32, #tpu.memory_space<vmem>>[vector<16xi32>], vector<16xf32>,
      tpu.vector_store_idx %arg15[%get3A_78], %get3A_82 {add = true} : memref<1024xf32, #tpu.memory_space<vmem>>[vector<16xi32>], vector<16xf32>,
    }
    %scan3A_26 = arith.constant 128 : i32
    %dma_start3A_27 = arith.constant 0 : i32
    %dma_start3A_28 = tpu.memref_slice %arg5[%add3A, %dma_start3A_27] : memref<32x1024xf32, #tpu.memory_space<hbm>> -> memref<1x1024xf32, #tpu.memory_space<hbm>>
    %dma_start3A_29 = tpu.memref_squeeze %dma_start3A_28 : memref<1x1024xf32, #tpu.memory_space<hbm>> -> memref<1024xf32, #tpu.memory_space<hbm>>
    %dma_start3A_30 = arith.constant 0 : i32
    %dma_start3A_31 = tpu.memref_slice %arg5[%add3A, %dma_start3A_30] : memref<32x1024xf32, #tpu.memory_space<hbm>> -> memref<1x1024xf32, #tpu.memory_space<hbm>>
    %dma_start3A_32 = tpu.memref_squeeze %dma_start3A_31 : memref<1x1024xf32, #tpu.memory_space<hbm>> -> memref<1024xf32, #tpu.memory_space<hbm>>
    tpu.enqueue_dma source(%arg12 : memref<1024xf32, #tpu.memory_space<vmem>>) target(%dma_start3A_32 : memref<1024xf32, #tpu.memory_space<hbm>>) target_semaphore(%arg17 : memref<!tpu.dma_semaphore, #tpu.memory_space<semaphore_mem>>)
    %dma_start3A_33 = arith.constant 0 : i32
    %dma_start3A_34 = tpu.memref_slice %arg6[%add3A, %dma_start3A_33] : memref<32x1024xf32, #tpu.memory_space<hbm>> -> memref<1x1024xf32, #tpu.memory_space<hbm>>
    %dma_start3A_35 = tpu.memref_squeeze %dma_start3A_34 : memref<1x1024xf32, #tpu.memory_space<hbm>> -> memref<1024xf32, #tpu.memory_space<hbm>>
    %dma_start3A_36 = arith.constant 0 : i32
    %dma_start3A_37 = tpu.memref_slice %arg6[%add3A, %dma_start3A_36] : memref<32x1024xf32, #tpu.memory_space<hbm>> -> memref<1x1024xf32, #tpu.memory_space<hbm>>
    %dma_start3A_38 = tpu.memref_squeeze %dma_start3A_37 : memref<1x1024xf32, #tpu.memory_space<hbm>> -> memref<1024xf32, #tpu.memory_space<hbm>>
    tpu.enqueue_dma source(%arg13 : memref<1024xf32, #tpu.memory_space<vmem>>) target(%dma_start3A_38 : memref<1024xf32, #tpu.memory_space<hbm>>) target_semaphore(%arg17 : memref<!tpu.dma_semaphore, #tpu.memory_space<semaphore_mem>>)
    %dma_start3A_39 = arith.constant 0 : i32
    %dma_start3A_40 = tpu.memref_slice %arg7[%add3A, %dma_start3A_39] : memref<32x1024xf32, #tpu.memory_space<hbm>> -> memref<1x1024xf32, #tpu.memory_space<hbm>>
    %dma_start3A_41 = tpu.memref_squeeze %dma_start3A_40 : memref<1x1024xf32, #tpu.memory_space<hbm>> -> memref<1024xf32, #tpu.memory_space<hbm>>
    %dma_start3A_42 = arith.constant 0 : i32
    %dma_start3A_43 = tpu.memref_slice %arg7[%add3A, %dma_start3A_42] : memref<32x1024xf32, #tpu.memory_space<hbm>> -> memref<1x1024xf32, #tpu.memory_space<hbm>>
    %dma_start3A_44 = tpu.memref_squeeze %dma_start3A_43 : memref<1x1024xf32, #tpu.memory_space<hbm>> -> memref<1024xf32, #tpu.memory_space<hbm>>
    tpu.enqueue_dma source(%arg14 : memref<1024xf32, #tpu.memory_space<vmem>>) target(%dma_start3A_44 : memref<1024xf32, #tpu.memory_space<hbm>>) target_semaphore(%arg17 : memref<!tpu.dma_semaphore, #tpu.memory_space<semaphore_mem>>)
    %dma_start3A_45 = arith.constant 0 : i32
    %dma_start3A_46 = tpu.memref_slice %arg8[%add3A, %dma_start3A_45] : memref<32x1024xf32, #tpu.memory_space<hbm>> -> memref<1x1024xf32, #tpu.memory_space<hbm>>
    %dma_start3A_47 = tpu.memref_squeeze %dma_start3A_46 : memref<1x1024xf32, #tpu.memory_space<hbm>> -> memref<1024xf32, #tpu.memory_space<hbm>>
    %dma_start3A_48 = arith.constant 0 : i32
    %dma_start3A_49 = tpu.memref_slice %arg8[%add3A, %dma_start3A_48] : memref<32x1024xf32, #tpu.memory_space<hbm>> -> memref<1x1024xf32, #tpu.memory_space<hbm>>
    %dma_start3A_50 = tpu.memref_squeeze %dma_start3A_49 : memref<1x1024xf32, #tpu.memory_space<hbm>> -> memref<1024xf32, #tpu.memory_space<hbm>>
    tpu.enqueue_dma source(%arg15 : memref<1024xf32, #tpu.memory_space<vmem>>) target(%dma_start3A_50 : memref<1024xf32, #tpu.memory_space<hbm>>) target_semaphore(%arg17 : memref<!tpu.dma_semaphore, #tpu.memory_space<semaphore_mem>>)
    %dma_wait3A_51 = arith.constant 0 : i32
    %dma_wait3A_52 = tpu.memref_slice %arg5[%add3A, %dma_wait3A_51] : memref<32x1024xf32, #tpu.memory_space<hbm>> -> memref<1x1024xf32, #tpu.memory_space<hbm>>
    %dma_wait3A_53 = tpu.memref_squeeze %dma_wait3A_52 : memref<1x1024xf32, #tpu.memory_space<hbm>> -> memref<1024xf32, #tpu.memory_space<hbm>>
    %dma_wait3A_54 = arith.constant 0 : i32
    %dma_wait3A_55 = tpu.memref_slice %arg5[%add3A, %dma_wait3A_54] : memref<32x1024xf32, #tpu.memory_space<hbm>> -> memref<1x1024xf32, #tpu.memory_space<hbm>>
    %dma_wait3A_56 = tpu.memref_squeeze %dma_wait3A_55 : memref<1x1024xf32, #tpu.memory_space<hbm>> -> memref<1024xf32, #tpu.memory_space<hbm>>
    tpu.wait_dma2 semaphore(%arg17 : memref<!tpu.dma_semaphore, #tpu.memory_space<semaphore_mem>>) src(%arg12 : memref<1024xf32, #tpu.memory_space<vmem>>) dst(%dma_wait3A_56 : memref<1024xf32, #tpu.memory_space<hbm>>)
    %dma_wait3A_57 = arith.constant 0 : i32
    %dma_wait3A_58 = tpu.memref_slice %arg6[%add3A, %dma_wait3A_57] : memref<32x1024xf32, #tpu.memory_space<hbm>> -> memref<1x1024xf32, #tpu.memory_space<hbm>>
    %dma_wait3A_59 = tpu.memref_squeeze %dma_wait3A_58 : memref<1x1024xf32, #tpu.memory_space<hbm>> -> memref<1024xf32, #tpu.memory_space<hbm>>
    %dma_wait3A_60 = arith.constant 0 : i32
    %dma_wait3A_61 = tpu.memref_slice %arg6[%add3A, %dma_wait3A_60] : memref<32x1024xf32, #tpu.memory_space<hbm>> -> memref<1x1024xf32, #tpu.memory_space<hbm>>
    %dma_wait3A_62 = tpu.memref_squeeze %dma_wait3A_61 : memref<1x1024xf32, #tpu.memory_space<hbm>> -> memref<1024xf32, #tpu.memory_space<hbm>>
    tpu.wait_dma2 semaphore(%arg17 : memref<!tpu.dma_semaphore, #tpu.memory_space<semaphore_mem>>) src(%arg13 : memref<1024xf32, #tpu.memory_space<vmem>>) dst(%dma_wait3A_62 : memref<1024xf32, #tpu.memory_space<hbm>>)
    %dma_wait3A_63 = arith.constant 0 : i32
    %dma_wait3A_64 = tpu.memref_slice %arg7[%add3A, %dma_wait3A_63] : memref<32x1024xf32, #tpu.memory_space<hbm>> -> memref<1x1024xf32, #tpu.memory_space<hbm>>
    %dma_wait3A_65 = tpu.memref_squeeze %dma_wait3A_64 : memref<1x1024xf32, #tpu.memory_space<hbm>> -> memref<1024xf32, #tpu.memory_space<hbm>>
    %dma_wait3A_66 = arith.constant 0 : i32
    %dma_wait3A_67 = tpu.memref_slice %arg7[%add3A, %dma_wait3A_66] : memref<32x1024xf32, #tpu.memory_space<hbm>> -> memref<1x1024xf32, #tpu.memory_space<hbm>>
    %dma_wait3A_68 = tpu.memref_squeeze %dma_wait3A_67 : memref<1x1024xf32, #tpu.memory_space<hbm>> -> memref<1024xf32, #tpu.memory_space<hbm>>
    tpu.wait_dma2 semaphore(%arg17 : memref<!tpu.dma_semaphore, #tpu.memory_space<semaphore_mem>>) src(%arg14 : memref<1024xf32, #tpu.memory_space<vmem>>) dst(%dma_wait3A_68 : memref<1024xf32, #tpu.memory_space<hbm>>)
    %dma_wait3A_69 = arith.constant 0 : i32
    %dma_wait3A_70 = tpu.memref_slice %arg8[%add3A, %dma_wait3A_69] : memref<32x1024xf32, #tpu.memory_space<hbm>> -> memref<1x1024xf32, #tpu.memory_space<hbm>>
    %dma_wait3A_71 = tpu.memref_squeeze %dma_wait3A_70 : memref<1x1024xf32, #tpu.memory_space<hbm>> -> memref<1024xf32, #tpu.memory_space<hbm>>
    %dma_wait3A_72 = arith.constant 0 : i32
    %dma_wait3A_73 = tpu.memref_slice %arg8[%add3A, %dma_wait3A_72] : memref<32x1024xf32, #tpu.memory_space<hbm>> -> memref<1x1024xf32, #tpu.memory_space<hbm>>
    %dma_wait3A_74 = tpu.memref_squeeze %dma_wait3A_73 : memref<1x1024xf32, #tpu.memory_space<hbm>> -> memref<1024xf32, #tpu.memory_space<hbm>>
    tpu.wait_dma2 semaphore(%arg17 : memref<!tpu.dma_semaphore, #tpu.memory_space<semaphore_mem>>) src(%arg15 : memref<1024xf32, #tpu.memory_space<vmem>>) dst(%dma_wait3A_74 : memref<1024xf32, #tpu.memory_space<hbm>>)
    return
  }
}

module attributes {stable_mosaic.version = 14 : i64} {
  func.func @_pt_body(%arg0: i32, %arg1: memref<1000x4096xf32, #tpu.memory_space<vmem>>, %arg2: memref<1x4096xi32, #tpu.memory_space<vmem>>, %arg3: memref<1x4096xf32, #tpu.memory_space<vmem>>, %arg4: memref<1x4096xf32, #tpu.memory_space<vmem>>) attributes {dimension_semantics = [#tpu.dimension_semantics<arbitrary>], iteration_bounds = array<i64: 16>, scalar_prefetch = 0 : i64, scratch_operands = 0 : i64, tpu.core_type = #tpu.core_type<tc>, window_params = [{transform_indices = @transform_0, window_bounds = array<i64: 1000, 4096>}, {transform_indices = @transform_1, window_bounds = array<i64: 1, 4096>}, {transform_indices = @transform_2, window_bounds = array<i64: 1, 4096>}, {transform_indices = @transform_3, window_bounds = array<i64: 1, 4096>}]} {
    %get3A = arith.constant 0 : index
    %get3A_0 = arith.constant 0 : index
    %get3A_1 = vector.load %arg1[%get3A, %get3A_0] : memref<1000x4096xf32, #tpu.memory_space<vmem>>, vector<1000x4096xf32>
    %get3A_2 = arith.constant 0 : index
    %get3A_3 = arith.constant 0 : index
    %get3A_4 = vector.load %arg2[%get3A_2, %get3A_3] : memref<1x4096xi32, #tpu.memory_space<vmem>>, vector<1x4096xi32>
    %reduce_max3A = arith.constant dense<0xFF800000> : vector<4096xf32>
    %reduce_max3A_5 = vector.multi_reduction <maximumf>, %get3A_1, %reduce_max3A [0] : vector<1000x4096xf32> to vector<4096xf32>
    %broadcast_in_dim3A = vector.shape_cast %reduce_max3A_5 : vector<4096xf32> to vector<1x4096xf32>
    %sub3A = vector.broadcast %broadcast_in_dim3A : vector<1x4096xf32> to vector<1000x4096xf32>
    %sub3A_6 = arith.subf %get3A_1, %sub3A : vector<1000x4096xf32>
    %exp3A = math.exp %sub3A_6 : vector<1000x4096xf32>
    %reduce_sum3A = arith.constant dense<0.000000e+00> : vector<4096xf32>
    %reduce_sum3A_7 = vector.multi_reduction <add>, %exp3A, %reduce_sum3A [0] : vector<1000x4096xf32> to vector<4096xf32>
    %broadcast_in_dim3A_8 = vector.shape_cast %reduce_sum3A_7 : vector<4096xf32> to vector<1x4096xf32>
    %iota3A = tpu.iota {dimensions = array<i32: 0>} : vector<1000x4096xi32>
    %eq3A = vector.broadcast %get3A_4 : vector<1x4096xi32> to vector<1000x4096xi32>
    %eq3A_9 = arith.cmpi eq, %iota3A, %eq3A : vector<1000x4096xi32>
    %jit3A = arith.constant 0.000000e+00 : f32
    %broadcast_in_dim3A_10 = vector.broadcast %jit3A : f32 to vector<1000x4096xf32>
    %select_n3A = arith.select %eq3A_9, %get3A_1, %broadcast_in_dim3A_10 : vector<1000x4096xi1>, vector<1000x4096xf32>
    %reduce_sum3A_11 = arith.constant dense<0.000000e+00> : vector<4096xf32>
    %reduce_sum3A_12 = vector.multi_reduction <add>, %select_n3A, %reduce_sum3A_11 [0] : vector<1000x4096xf32> to vector<4096xf32>
    %broadcast_in_dim3A_13 = vector.shape_cast %reduce_sum3A_12 : vector<4096xf32> to vector<1x4096xf32>
    %sub3A_14 = arith.subf %broadcast_in_dim3A_13, %broadcast_in_dim3A : vector<1x4096xf32>
    %exp3A_15 = math.exp %sub3A_14 : vector<1x4096xf32>
    %div3A = arith.divf %exp3A_15, %broadcast_in_dim3A_8 : vector<1x4096xf32>
    %swap3A = arith.constant 0 : index
    %swap3A_16 = arith.constant 0 : index
    %swap3A_17 = vector.load %arg3[%swap3A, %swap3A_16] : memref<1x4096xf32, #tpu.memory_space<vmem>>, vector<1x4096xf32>
    tpu.vector_store %arg3[%swap3A, %swap3A_16], %div3A {strides = array<i32>} : memref<1x4096xf32, #tpu.memory_space<vmem>>, vector<1x4096xf32>,
    %add3A = arith.constant 9.99999997E-7 : f32
    %add3A_18 = vector.broadcast %add3A : f32 to vector<1x4096xf32>
    %add3A_19 = arith.addf %div3A, %add3A_18 : vector<1x4096xf32>
    %log3A = math.log %add3A_19 : vector<1x4096xf32>
    %swap3A_20 = arith.constant 0 : index
    %swap3A_21 = arith.constant 0 : index
    %swap3A_22 = vector.load %arg4[%swap3A_20, %swap3A_21] : memref<1x4096xf32, #tpu.memory_space<vmem>>, vector<1x4096xf32>
    tpu.vector_store %arg4[%swap3A_20, %swap3A_21], %log3A {strides = array<i32>} : memref<1x4096xf32, #tpu.memory_space<vmem>>, vector<1x4096xf32>,
    return
  }
  func.func @transform_0(%arg0: i32) -> (i32, i32) {
    %c0_i32 = arith.constant 0 : i32
    %c0_i32_0 = arith.constant 0 : i32
    return %c0_i32, %arg0 : i32, i32
  }
  func.func @transform_1(%arg0: i32) -> (i32, i32) {
    %c0_i32 = arith.constant 0 : i32
    %c0_i32_0 = arith.constant 0 : i32
    return %c0_i32, %arg0 : i32, i32
  }
  func.func @transform_2(%arg0: i32) -> (i32, i32) {
    %c0_i32 = arith.constant 0 : i32
    %c0_i32_0 = arith.constant 0 : i32
    return %c0_i32, %arg0 : i32, i32
  }
  func.func @transform_3(%arg0: i32) -> (i32, i32) {
    %c0_i32 = arith.constant 0 : i32
    %c0_i32_0 = arith.constant 0 : i32
    return %c0_i32, %arg0 : i32, i32
  }
}

module attributes {stable_mosaic.version = 14 : i64} {
  func.func @_final_body(%arg0: memref<32x1024xf32, #tpu.memory_space<vmem>>, %arg1: memref<32x1024xf32, #tpu.memory_space<vmem>>, %arg2: memref<32x1024xf32, #tpu.memory_space<vmem>>, %arg3: memref<32x1024xf32, #tpu.memory_space<vmem>>, %arg4: memref<1x1xf32, #tpu.memory_space<vmem>>) attributes {dimension_semantics = [], scalar_prefetch = 0 : i64, scratch_operands = 0 : i64, tpu.core_type = #tpu.core_type<tc>} {
    %get3A = arith.constant 0 : index
    %get3A_0 = arith.constant 0 : index
    %get3A_1 = vector.load %arg0[%get3A, %get3A_0] : memref<32x1024xf32, #tpu.memory_space<vmem>>, vector<32x1024xf32>
    %reduce_sum3A = arith.constant dense<0.000000e+00> : vector<1024xf32>
    %reduce_sum3A_2 = vector.multi_reduction <add>, %get3A_1, %reduce_sum3A [0] : vector<32x1024xf32> to vector<1024xf32>
    %broadcast_in_dim3A = vector.shape_cast %reduce_sum3A_2 : vector<1024xf32> to vector<1x1024xf32>
    %get3A_3 = arith.constant 0 : index
    %get3A_4 = arith.constant 0 : index
    %get3A_5 = vector.load %arg1[%get3A_3, %get3A_4] : memref<32x1024xf32, #tpu.memory_space<vmem>>, vector<32x1024xf32>
    %reduce_sum3A_6 = arith.constant dense<0.000000e+00> : vector<1024xf32>
    %reduce_sum3A_7 = vector.multi_reduction <add>, %get3A_5, %reduce_sum3A_6 [0] : vector<32x1024xf32> to vector<1024xf32>
    %broadcast_in_dim3A_8 = vector.shape_cast %reduce_sum3A_7 : vector<1024xf32> to vector<1x1024xf32>
    %get3A_9 = arith.constant 0 : index
    %get3A_10 = arith.constant 0 : index
    %get3A_11 = vector.load %arg2[%get3A_9, %get3A_10] : memref<32x1024xf32, #tpu.memory_space<vmem>>, vector<32x1024xf32>
    %reduce_sum3A_12 = arith.constant dense<0.000000e+00> : vector<1024xf32>
    %reduce_sum3A_13 = vector.multi_reduction <add>, %get3A_11, %reduce_sum3A_12 [0] : vector<32x1024xf32> to vector<1024xf32>
    %broadcast_in_dim3A_14 = vector.shape_cast %reduce_sum3A_13 : vector<1024xf32> to vector<1x1024xf32>
    %get3A_15 = arith.constant 0 : index
    %get3A_16 = arith.constant 0 : index
    %get3A_17 = vector.load %arg3[%get3A_15, %get3A_16] : memref<32x1024xf32, #tpu.memory_space<vmem>>, vector<32x1024xf32>
    %reduce_sum3A_18 = arith.constant dense<0.000000e+00> : vector<1024xf32>
    %reduce_sum3A_19 = vector.multi_reduction <add>, %get3A_17, %reduce_sum3A_18 [0] : vector<32x1024xf32> to vector<1024xf32>
    %broadcast_in_dim3A_20 = vector.shape_cast %reduce_sum3A_19 : vector<1024xf32> to vector<1x1024xf32>
    %iota3A = tpu.iota {dimensions = array<i32: 1>} : vector<1x1024xi32>
    %lt3A = arith.constant 1000 : i32
    %lt3A_21 = vector.broadcast %lt3A : i32 to vector<1x1024xi32>
    %lt3A_22 = arith.cmpi slt, %iota3A, %lt3A_21 : vector<1x1024xi32>
    %gt3A = arith.constant 0.000000e+00 : f32
    %gt3A_23 = vector.broadcast %gt3A : f32 to vector<1x1024xf32>
    %gt3A_24 = arith.cmpf ogt, %broadcast_in_dim3A, %gt3A_23 : vector<1x1024xf32>
    %jit3A = arith.constant 1.000000e+00 : f32
    %broadcast_in_dim3A_25 = vector.broadcast %jit3A : f32 to vector<1x1024xf32>
    %select_n3A = arith.select %gt3A_24, %broadcast_in_dim3A, %broadcast_in_dim3A_25 : vector<1x1024xi1>, vector<1x1024xf32>
    %reduce_max3A = vector.shape_cast %broadcast_in_dim3A : vector<1x1024xf32> to vector<1x1x1024xf32>
    %reduce_max3A_26 = arith.constant dense<0xFF800000> : vector<1xf32>
    %reduce_max3A_27 = vector.multi_reduction <maximumf>, %reduce_max3A, %reduce_max3A_26 [1, 2] : vector<1x1x1024xf32> to vector<1xf32>
    %reduce_max3A_28 = vector.shape_cast %reduce_max3A_27 : vector<1xf32> to vector<1x1x1xf32>
    %reduce_max3A_29 = vector.extract %reduce_max3A_28[0, 0, 0] : f32 from vector<1x1x1xf32>
    %div3A = vector.broadcast %reduce_max3A_29 : f32 to vector<1x1024xf32>
    %div3A_30 = arith.divf %div3A, %select_n3A : vector<1x1024xf32>
    %log3A = math.log %div3A_30 : vector<1x1024xf32>
    %add3A = arith.constant 1.000000e+00 : f32
    %add3A_31 = vector.broadcast %add3A : f32 to vector<1x1024xf32>
    %add3A_32 = arith.addf %log3A, %add3A_31 : vector<1x1024xf32>
    %jit3A_33 = arith.constant 0.000000e+00 : f32
    %broadcast_in_dim3A_34 = vector.broadcast %jit3A_33 : f32 to vector<1x1024xf32>
    %select_n3A_35 = arith.select %gt3A_24, %add3A_32, %broadcast_in_dim3A_34 : vector<1x1024xi1>, vector<1x1024xf32>
    %neg3A = arith.constant 0.000000e+00 : f32
    %neg3A_36 = vector.broadcast %neg3A : f32 to vector<1x1024xf32>
    %neg3A_37 = arith.subf %neg3A_36, %broadcast_in_dim3A_20 : vector<1x1024xf32>
    %div3A_38 = arith.divf %neg3A_37, %select_n3A : vector<1x1024xf32>
    %jit3A_39 = arith.constant 1.000000e+00 : f32
    %broadcast_in_dim3A_40 = vector.broadcast %jit3A_39 : f32 to vector<1x1024xf32>
    %select_n3A_41 = arith.select %gt3A_24, %div3A_38, %broadcast_in_dim3A_40 : vector<1x1024xi1>, vector<1x1024xf32>
    %mul3A = arith.mulf %select_n3A_41, %select_n3A_35 : vector<1x1024xf32>
    %jit3A_42 = arith.constant 0.000000e+00 : f32
    %broadcast_in_dim3A_43 = vector.broadcast %jit3A_42 : f32 to vector<1x1024xf32>
    %select_n3A_44 = arith.select %lt3A_22, %mul3A, %broadcast_in_dim3A_43 : vector<1x1024xi1>, vector<1x1024xf32>
    %reduce_sum3A_45 = vector.shape_cast %select_n3A_44 : vector<1x1024xf32> to vector<1x1x1024xf32>
    %reduce_sum3A_46 = arith.constant dense<0.000000e+00> : vector<1xf32>
    %reduce_sum3A_47 = vector.multi_reduction <add>, %reduce_sum3A_45, %reduce_sum3A_46 [1, 2] : vector<1x1x1024xf32> to vector<1xf32>
    %reduce_sum3A_48 = vector.shape_cast %reduce_sum3A_47 : vector<1xf32> to vector<1x1x1xf32>
    %reduce_sum3A_49 = vector.extract %reduce_sum3A_48[0, 0, 0] : f32 from vector<1x1x1xf32>
    %div3A_50 = arith.constant 1.000000e+03 : f32
    %div3A_51 = arith.divf %reduce_sum3A_49, %div3A_50 : f32
    %div3A_52 = arith.divf %broadcast_in_dim3A_8, %select_n3A : vector<1x1024xf32>
    %jit3A_53 = arith.constant 1.000000e+00 : f32
    %broadcast_in_dim3A_54 = vector.broadcast %jit3A_53 : f32 to vector<1x1024xf32>
    %select_n3A_55 = arith.select %gt3A_24, %div3A_52, %broadcast_in_dim3A_54 : vector<1x1024xi1>, vector<1x1024xf32>
    %gt3A_56 = arith.constant 1.000000e+00 : f32
    %gt3A_57 = vector.broadcast %gt3A_56 : f32 to vector<1x1024xf32>
    %gt3A_58 = arith.cmpf ogt, %broadcast_in_dim3A, %gt3A_57 : vector<1x1024xf32>
    %sub3A = arith.constant 1.000000e+00 : f32
    %sub3A_59 = vector.broadcast %sub3A : f32 to vector<1x1024xf32>
    %sub3A_60 = arith.subf %broadcast_in_dim3A, %sub3A_59 : vector<1x1024xf32>
    %jit3A_61 = arith.constant 1.000000e+00 : f32
    %broadcast_in_dim3A_62 = vector.broadcast %jit3A_61 : f32 to vector<1x1024xf32>
    %select_n3A_63 = arith.select %gt3A_58, %sub3A_60, %broadcast_in_dim3A_62 : vector<1x1024xi1>, vector<1x1024xf32>
    %mul3A_64 = arith.mulf %broadcast_in_dim3A, %select_n3A_55 : vector<1x1024xf32>
    %mul3A_65 = arith.mulf %mul3A_64, %select_n3A_55 : vector<1x1024xf32>
    %sub3A_66 = arith.subf %broadcast_in_dim3A_14, %mul3A_65 : vector<1x1024xf32>
    %div3A_67 = arith.divf %sub3A_66, %select_n3A_63 : vector<1x1024xf32>
    %max3A = arith.constant 9.99999996E-13 : f32
    %max3A_68 = vector.broadcast %max3A : f32 to vector<1x1024xf32>
    %max3A_69 = arith.maximumf %div3A_67, %max3A_68 : vector<1x1024xf32>
    %sqrt3A = math.sqrt %max3A_69 : vector<1x1024xf32>
    %jit3A_70 = arith.constant 0.000000e+00 : f32
    %broadcast_in_dim3A_71 = vector.broadcast %jit3A_70 : f32 to vector<1x1024xf32>
    %select_n3A_72 = arith.select %gt3A_58, %sqrt3A, %broadcast_in_dim3A_71 : vector<1x1024xi1>, vector<1x1024xf32>
    %jit3A_73 = arith.constant -1.000000e+30 : f32
    %broadcast_in_dim3A_74 = vector.broadcast %jit3A_73 : f32 to vector<1x1024xf32>
    %select_n3A_75 = arith.select %lt3A_22, %select_n3A_35, %broadcast_in_dim3A_74 : vector<1x1024xi1>, vector<1x1024xf32>
    %reduce_max3A_76 = vector.shape_cast %select_n3A_75 : vector<1x1024xf32> to vector<1x1x1024xf32>
    %reduce_max3A_77 = arith.constant dense<0xFF800000> : vector<1xf32>
    %reduce_max3A_78 = vector.multi_reduction <maximumf>, %reduce_max3A_76, %reduce_max3A_77 [1, 2] : vector<1x1x1024xf32> to vector<1xf32>
    %reduce_max3A_79 = vector.shape_cast %reduce_max3A_78 : vector<1xf32> to vector<1x1x1xf32>
    %reduce_max3A_80 = vector.extract %reduce_max3A_79[0, 0, 0] : f32 from vector<1x1x1xf32>
    %sub3A_81 = vector.broadcast %reduce_max3A_80 : f32 to vector<1x1024xf32>
    %sub3A_82 = arith.subf %select_n3A_35, %sub3A_81 : vector<1x1024xf32>
    %exp3A = math.exp %sub3A_82 : vector<1x1024xf32>
    %jit3A_83 = arith.constant 0.000000e+00 : f32
    %broadcast_in_dim3A_84 = vector.broadcast %jit3A_83 : f32 to vector<1x1024xf32>
    %select_n3A_85 = arith.select %lt3A_22, %exp3A, %broadcast_in_dim3A_84 : vector<1x1024xi1>, vector<1x1024xf32>
    %reduce_sum3A_86 = vector.shape_cast %select_n3A_85 : vector<1x1024xf32> to vector<1x1x1024xf32>
    %reduce_sum3A_87 = arith.constant dense<0.000000e+00> : vector<1xf32>
    %reduce_sum3A_88 = vector.multi_reduction <add>, %reduce_sum3A_86, %reduce_sum3A_87 [1, 2] : vector<1x1x1024xf32> to vector<1xf32>
    %reduce_sum3A_89 = vector.shape_cast %reduce_sum3A_88 : vector<1xf32> to vector<1x1x1xf32>
    %reduce_sum3A_90 = vector.extract %reduce_sum3A_89[0, 0, 0] : f32 from vector<1x1x1xf32>
    %div3A_91 = vector.broadcast %reduce_sum3A_90 : f32 to vector<1x1024xf32>
    %div3A_92 = arith.divf %select_n3A_85, %div3A_91 : vector<1x1024xf32>
    %div3A_93 = arith.divf %select_n3A_72, %select_n3A_55 : vector<1x1024xf32>
    %mul3A_94 = arith.mulf %div3A_93, %div3A_92 : vector<1x1024xf32>
    %mul3A_95 = arith.mulf %broadcast_in_dim3A, %mul3A_94 : vector<1x1024xf32>
    %reduce_sum3A_96 = vector.shape_cast %mul3A_95 : vector<1x1024xf32> to vector<1x1x1024xf32>
    %reduce_sum3A_97 = arith.constant dense<0.000000e+00> : vector<1xf32>
    %reduce_sum3A_98 = vector.multi_reduction <add>, %reduce_sum3A_96, %reduce_sum3A_97 [1, 2] : vector<1x1x1024xf32> to vector<1xf32>
    %reduce_sum3A_99 = vector.shape_cast %reduce_sum3A_98 : vector<1xf32> to vector<1x1x1xf32>
    %reduce_sum3A_100 = vector.extract %reduce_sum3A_99[0, 0, 0] : f32 from vector<1x1x1xf32>
    %div3A_101 = arith.constant 6.553600e+04 : f32
    %div3A_102 = arith.divf %reduce_sum3A_100, %div3A_101 : f32
    %add3A_103 = arith.addf %div3A_51, %div3A_102 : f32
    %broadcast_in_dim3A_104 = vector.broadcast %add3A_103 : f32 to vector<1x1xf32>
    %swap3A = arith.constant 0 : index
    %swap3A_105 = arith.constant 0 : index
    %swap3A_106 = vector.load %arg4[%swap3A, %swap3A_105] : memref<1x1xf32, #tpu.memory_space<vmem>>, vector<1x1xf32>
    tpu.vector_store %arg4[%swap3A, %swap3A_105], %broadcast_in_dim3A_104 {strides = array<i32>} : memref<1x1xf32, #tpu.memory_space<vmem>>, vector<1x1xf32>,
    return
  }
}

</mosaic_0001>

<sc_bundles>
// kernel: kernel.5.cloned.1.call-start
scs
__scs_entry_jumppad:
0x0: {  	(pc) =	sbr.rel $0x88, $3  }
0x1: {  	(tag) =	ssettag $0x0;
	lr =	simm.s32 $0x1  }
0x2: {  	[smem:$0x3F9F] =	sst lr;
	_ =	strace $0xD0000000  }
0x3: {  	_ = 	snop  }
0x4: {  	_ = 	snop  }
0x5: {  	_ = 	snop  }
0x6: {  	_ = 	snop  }
0x7: {  	_ = 	snop  }
__scs_overlays_trampoline_lowered:
0x8: {  	[smem:$0x3FAE] =	sst s0  }
0x9: {  	[smem:$0x3FAF] =	sst s1  }
0xa: {  	[smem:$0x3FB0] =	sst s2  }
0xb: {  	[smem:$0x3FB1] =	sst s3  }
0xc: {  	[smem:$0x3FB2] =	sst s4  }
0xd: {  	[smem:$0x3FB3] =	sst s5  }
0xe: {  	[smem:$0x3FB4] =	sst s6  }
0xf: {  	[smem:$0x3FB5] =	sst s7  }
0x10: {  	[smem:$0x3FB6] =	sst s8  }
0x11: {  	[smem:$0x3FB7] =	sst s9;
	s0 =	simm.s32 @!p0 $0x0  }
0x12: {  	s1 =	sld [smem:$0x3F9D];
	s0 =	simm.s32 @p0 $0x1  }
0x13: {  	[smem:$0x3FB8] =	sst s0;
	s0 =	simm.s32 @!p1 $0x0  }
0x14: {  	s2 =	sld [smem:$0x3F9C];
	s0 =	simm.s32 @p1 $0x1  }
0x15: {  	[smem:$0x3FB9] =	sst s0;
	s0 =	simm.s32 @!p2 $0x0  }
0x16: {  	s3 =	sld [smem:$0x3FDB];
	s0 =	simm.s32 @p2 $0x1  }
0x17: {  	s4 =	simm.s32 $0x1BF5;
	[smem:$0x3FBB] =	sst s0  }
0x18: {  	s0 =	sld [smem:$0x3F9E];
	_ =	swait.ge [sflag:s4], $0x0  }
0x19: {  	s7 =	sld [smem:$0x3F9F]  }
0x1a: {  	s8 =	sadd.s32 $0xFFFFE003, lr  }
0x1b: {  	s9 =	sadd.s32 $0xFFFFFEF7, lr;
	s5 =	simm.s32 $0xFFFFFFFF;
	p2 =	slt.u32 s8, $0xFFFFF086  }
0x1c: {  	p1 =	slt.u32 s9, $0xF7A;
	s5 =	simm.s32 @!p2 $0x0  }
0x1d: {  	s5 =	simm.s32 @p1 $0x1;
	p0 =	seq.s32 s7, s2  }
0x1e: {  	s7 =	smul.u32 @!p0 $0xF7A, s2;
	p2 =	seq.s32 @!p0 s5, $0x0  }
0x1f: {  	s9 =	smul.u32 $0xF7A, s1;
	s8 =	simm.s32 @!p0 $0x1BF5;
	p2 =	por !p2, p0  }
0x20: {  	[sflag:s8] =	ssyncset.s32 @!p0 $0xFFFFF086;
	s6 =	sadd.s32 @!p0 s3, s7;
	s7 =	simm.s32 @!p0 $0x108  }
0x21: {  	s3 =	sadd.s32 s3, s9;
	s6 =	sadd.s32 @!p0 $0x88, s6;
	s7 =	simm.s32 @p2 $0x1082  }
0x22: {  	[simem:s7], [sflag:s8] =	dma.local @!p0 [hbm:s6], $0xF7A  }
0x23: {  	s9 =	sor.u32 $0xD0000000, s2;
	s6 =	simm.s32 $0x108;
	_ =	swait.ge @!p0 [sflag:s8], $0x0  }
0x24: {  	s3 =	sadd.s32 $0x88, s3;
	s6 =	simm.s32 @!p1 $0x1082;
	[sflag:s4] =	ssyncset.s32 $0xFFFFF086  }
0x25: {  	[simem:s6], [sflag:s4] =	dma.local [hbm:s3], $0xF7A  }
0x26: {  	[smem:$0x3F9F] =	sst s1;
	(tag) =	ssettag s2;
	_ =	strace s9  }
0x27: {  	s1 =	sld [smem:$0x3FAF]  }
0x28: {  	s2 =	sld [smem:$0x3FB0]  }
0x29: {  	s4 =	sld [smem:$0x3FB2]  }
0x2a: {  	p0 =	seq.s32 s5, $0x0;
	s5 =	sld [smem:$0x3FB3]  }
0x2b: {  	s6 =	sld [smem:$0x3FB4]  }
0x2c: {  	s7 =	sld [smem:$0x3FB5]  }
0x2d: {  	s3 =	simm.s32 $0x108;
	s8 =	sld [smem:$0x3FB6]  }
0x2e: {  	s3 =	simm.s32 @!p0 $0x1082;
	s9 =	sld [smem:$0x3FB7]  }
0x2f: {  	lr =	sadd.s32 s0, s3;
	s0 =	sld [smem:$0x3FAE]  }
0x30: {  	s3 =	sld [smem:$0x3FB1]  }
0x31: {  	[smem:$0x3FBA] =	sst s10  }
0x32: {  	s10 =	sld [smem:$0x3FB8];
	_ =	sdelay $0x3  }
0x33: {  	p0 =	seq.s32 s10, $0x1;
	s10 =	sld [smem:$0x3FBA];
	_ =	sdelay $0x3  }
0x34: {  	[smem:$0x3FBA] =	sst s10  }
0x35: {  	s10 =	sld [smem:$0x3FB9];
	_ =	sdelay $0x3  }
0x36: {  	p1 =	seq.s32 s10, $0x1;
	s10 =	sld [smem:$0x3FBA];
	_ =	sdelay $0x3  }
0x37: {  	[smem:$0x3FBA] =	sst s10  }
0x38: {  	s10 =	sld [smem:$0x3FBB]  }
0x39: {  	_ = 	snop;
	(pc) =	sbr.ind lr, $3  }
0x3a: {  	_ = 	snop  }
0x3b: {  	_ = 	snop  }
0x3c: {  	p2 =	seq.s32 s10, $0x1;
	s10 =	sld [smem:$0x3FBA]  }
0x3d: {  	_ =	shalt  }
0x3e: {  	_ =	shalt  }
0x3f: {  	_ =	shalt  }
0x40: {  	_ =	shalt  }
0x41: {  	_ =	shalt  }
0x42: {  	_ =	shalt  }
0x43: {  	_ =	shalt  }
0x44: {  	_ =	shalt  }
0x45: {  	_ =	shalt  }
0x46: {  	_ =	shalt  }
0x47: {  	_ =	shalt  }
0x48: {  	_ =	shalt  }
0x49: {  	_ =	shalt  }
0x4a: {  	_ =	shalt  }
0x4b: {  	_ =	shalt  }
0x4c: {  	_ =	shalt  }
0x4d: {  	_ =	shalt  }
0x4e: {  	_ =	shalt  }
0x4f: {  	_ =	shalt  }
0x50: {  	_ =	shalt  }
0x51: {  	_ =	shalt  }
0x52: {  	_ =	shalt  }
0x53: {  	_ =	shalt  }
0x54: {  	_ =	shalt  }
0x55: {  	_ =	shalt  }
0x56: {  	_ =	shalt  }
0x57: {  	_ =	shalt  }
0x58: {  	_ =	shalt  }
0x59: {  	_ =	shalt  }
0x5a: {  	_ =	shalt  }
0x5b: {  	_ =	shalt  }
0x5c: {  	_ =	shalt  }
0x5d: {  	_ =	shalt  }
0x5e: {  	_ =	shalt  }
0x5f: {  	_ =	shalt  }
0x60: {  	_ =	shalt  }
0x61: {  	_ =	shalt  }
0x62: {  	_ =	shalt  }
0x63: {  	_ =	shalt  }
0x64: {  	_ =	shalt  }
0x65: {  	_ =	shalt  }
0x66: {  	_ =	shalt  }
0x67: {  	_ =	shalt  }
0x68: {  	_ =	shalt  }
0x69: {  	_ =	shalt  }
0x6a: {  	_ =	shalt  }
0x6b: {  	_ =	shalt  }
0x6c: {  	_ =	shalt  }
0x6d: {  	_ =	shalt  }
0x6e: {  	_ =	shalt  }
0x6f: {  	_ =	shalt  }
0x70: {  	_ =	shalt  }
0x71: {  	_ =	shalt  }
0x72: {  	_ =	shalt  }
0x73: {  	_ =	shalt  }
0x74: {  	_ =	shalt  }
0x75: {  	_ =	shalt  }
0x76: {  	_ =	shalt  }
0x77: {  	_ =	shalt  }
0x78: {  	_ =	shalt  }
0x79: {  	_ =	shalt  }
0x7a: {  	_ =	shalt  }
0x7b: {  	_ =	shalt  }
0x7c: {  	_ =	shalt  }
0x7d: {  	_ =	shalt  }
0x7e: {  	_ =	shalt  }
0x7f: {  	_ =	shalt  }
0x80: {  	_ =	shalt  }
0x81: {  	_ =	shalt  }
0x82: {  	_ =	shalt  }
0x83: {  	_ =	shalt  }
0x84: {  	_ =	shalt  }
0x85: {  	_ =	shalt  }
0x86: {  	_ =	shalt  }
0x87: {  	_ =	shalt  }
.Lfunc_end0:
.L_simem_size_0:
called_computation_lowered:
.L_overlay_start_0:
0x88: {  	s2 =	sld [smem:$0x3FD9]  }
0x89: {  	s3 =	sld [smem:$0x3FFE];
	_ =	sdelay $0x1  }
0x8a: {  	s1 =	srdreg.scid  }
0x8b: {  	s0 =	sand.u32 $0x1, s1  }
0x8c: {  	s17 =	sshll.u32 s0, $0xA;
	s2 =	sadd.s32 s3, s2  }
0x8d: {  	s2 =	sadd.s32 s2, s17  }
0x8e: {  	[smem:$0x3FC6] =	sst s2  }
0x8f: {  	_ = 	snop  }
0x90: {  	s2 =	sld [smem:$0x3FC8];
	(tm) =	ssettm $0x1  }
0x91: {  	s18 =	sld [smem:$0x3FFB];
	_ =	sdelay $0x3  }
0x92: {  	_ =	strace s18  }
0x93: {  	s3 =	sld [smem:$0x3FFC];
	_ =	sdelay $0x3  }
0x94: {  	_ =	strace s3  }
0x95: {  	s3 =	sld [smem:$0x3FFD];
	_ =	sdelay $0x3  }
0x96: {  	_ =	strace s3  }
0x97: {  	_ =	strace $0x8FFFFFFF  }
0x98: {  	s19 =	sld [smem:$0x3FDB];
	_ =	sdelay $0x1  }
0x99: {  	s4 =	simm.s32 $_scs_section_size  }
0x9a: {  	s5 =	simm.s32 $_size__tile_overlayer_lowered;
	s6 =	simm.s32 $_tile_overlayer_lowered  }
0x9b: {  	s22 =	simm.s32 $0x1BFF;
	s21 =	sshll.u32 s6, $0x1;
	s3 =	sadd.s32 s4, s19  }
0x9c: {  	s7 =	simm.s32 $0x0;
	s20 =	sshll.u32 s5, $0x1;
	s5 =	sadd.s32 s21, s3  }
0x9d: {  	[timem:s7], [sflag:s22] =	dma.local [hbm:s5], s20  }
0x9e: {  	_ =	swait.ge [sflag:s22], s20  }
0x9f: {  	s4 =	ssub.s32 $0x0, s20;
	[sflag:s22] =	ssyncset.done $0x0  }
0xa0: {  	[sflag:s22] =	ssyncadd.s32 s4;
	_ =	sdelay $0x1  }
0xa1: {  	s23 =	simm.s32 $0x1B8B  }
0xa2: {  	_ =	swait.ge [sflag:s23], $0x1  }
0xa3: {  	[sflag:s23] =	ssyncset.done $0x0  }
0xa4: {  	s25 =	simm.s32 $0x1B8E;
	s24 =	sld [smem:$0x3FFE];
	[sflag:s23] =	ssyncadd.s32 $0xFFFFFFFF  }
0xa5: {  	s26 =	simm.s32 $execute0_lowered;
	[smem:$0x3FD2] =	sst s25  }
0xa6: {  	s5 =	sshll.u32 s26, $0x1;
	_ =	strace $0x80000046;
	[dreg:$0x1] =	wrdreg $0xFFFFFFFF  }
0xa7: {  	s28 =	simm.s32 $_size_execute0_lowered;
	s3 =	sadd.s32 s3, s5;
	[dreg:$0x0] =	wrdreg $0x0  }
0xa8: {  	s5 =	sshll.u32 s28, $0x1;
	[dreg:$0x2] =	wrdreg s3  }
0xa9: {  	[dreg:$0x3] =	wrdreg s5  }
0xaa: {  	[dreg:$0x4] =	wrdreg $0xC0  }
0xab: {  	_ =	task [dreg:s7], $0x5FFFF  }
0xac: {  	[dreg:$0x1] =	wrdreg $0xFFFFFFFF  }
0xad: {  	[dreg:$0x0] =	wrdreg $0x60  }
0xae: {  	[dreg:$0x2] =	wrdreg s24  }
0xaf: {  	[dreg:$0x3] =	wrdreg s2  }
0xb0: {  	[dreg:$0x4] =	wrdreg $0x9  }
0xb1: {  	_ =	task.clear_ibuf [dreg:s7], $0x5FFFF;
	_ =	strace $0x90000046  }
0xb2: {  	s29 =	simm.s32 $0x9;
	_ =	strace $0x80000048  }
0xb3: {  	_ =	swait.ge [sflag:s29], $0x1  }
0xb4: {  	[sflag:s29] =	ssyncadd.s32 $0xFFFFFFFF  }
0xb5: {  	_ =	strace $0x90000048  }
0xb6: {  	_ =	sfence  }
0xb7: {  	s30 =	sld [smem:$0x0];
	_ =	sdelay $0x2  }
0xb8: {  	s31 =	sshll.u32 s1, $0xD;
	s1 =	sshrl.u32 s1, $0x2  }
0xb9: {  	s3 =	sand.u32 $0x4000, s31;
	s1 =	sadd.s32 s1, s30  }
0xba: {  	s0 =	sor.u32 s3, s0;
	s1 =	sshll.u32 s1, $0x11  }
0xbb: {  	s0 =	sor.u32 s1, s0  }
0xbc: {  	s0 =	sadd.s32 $0x8F2B, s0  }
0xbd: {  	[sflag:s0] =	ssyncadd.remote.s32 $0x1  }
0xbe: {  	_ =	sfence.sel $0xFFFF  }
0xbf: {  	[dreg:$0x0] =	wrdreg $0xFFFFFFFF;
	(pc) =	sbr.abs _section_cstart, $3  }
0xc0: {  	[dreg:$0x1] =	wrdreg $0xFFFFFFFF  }
0xc1: {  	_ =	task.clear_ibuf [dreg:s7], $0x2FFFF;
	_ =	strace $0x9FFFFFFF  }
0xc2: {  	(tm) =	ssettm $0x7FFFFFFF  }
0xc3: {  	_ =	shalt  }
tec
execute0_lowered:
.L_overlay_start_1:
0x0: {  	(tag) =	ssettag $0x1  }
0x1: {  	s3 =	rddreg [dreg:$0x0]  }
0x2: {  	s5 =	rddreg [dreg:$0x1]  }
0x3: {  	s0 =	rddreg [dreg:$0x2];
	s4 =	srdreg.scid  }
0x4: {  	s1 =	stileid.u32;
	s2 =	simm.s32 $0x0;
	s12 =	simm.s32 $0x1000  }
0x5: {  	s13 =	simm.s32 $0x1;
	s14 =	simm.s32 $0x1800;
	s15 =	simm.s32 $0x1C00  }
0x6: {  	s16 =	simm.s32 $0x2000;
	s17 =	simm.s32 $0x2400;
	s18 =	simm.s32 $0x80  }
0x7: {  	s19 =	simm.s32 $0x400;
	s20 =	simm.s32 $0x2;
	s21 =	simm.s32 $0x0  }
0x8: {  	s4 =	sand.u32 $0x1, s4;
	s6 =	sshll.u32 s1, $0x1;
	[smem:$0x7FF] =	sst s2  }
0x9: {  	s7 =	sshll.u32 s1, $0x8;
	s6 =	sor.u32 s4, s6;
	_ =	strace $0x80000047  }
0xa: {  	s4 =	ssub.s32 $0x2, s4;
	s8 =	sshll.u32 s6, $0x4;
	s6 =	sshll.u32 s6, $0x8  }
0xb: {  	s9 =	sshrl.u32 s4, $0x1;
	s7 =	sor.u32 s7, s8;
	s31 =	sadd.s32 s6, s3  }
0xc: {  	s11 =	ssub.s32 s4, s9;
	s5 =	sadd.s32 s5, s6;
	s7 =	sand.u32 $0xC70, s7  }
0xd: {  	s4 =	sadd.s32 $0x3200, s31;
	s10 =	sadd.s32 s7, s3;
	s3 =	sadd.s32 $0x1200, s31  }
0xe: {  	s6 =	sadd.s32 $0x5200, s10;
	s7 =	sadd.s32 $0x6200, s10;
	s8 =	sadd.s32 $0x7200, s10  }
0xf: {  	v0 =	vimm.f32 $0.0e+00;
	v1 =	vimm.f32 $1.000000000e+00;
	s9 =	sadd.s32 $0x8200, s10;
	s10 =	smax.u32 s11, $0x1;
	s11 =	simm.s32 $0x800  }
.LBB2_1:
0x10: {  	[tilespmem:s2], [sflag:$0x1] =	stream.linear.gather [hbm4b:s3+s2], $0x800, $0x38;
	[tilespmem:$0x2800] =	vst v63  }
0x11: {  	_ = 	snop  }
0x12: {  	[tilespmem:s11], [sflag:$0x1] =	stream.linear.gather [hbm4b:s4+s2], $0x800, $0x38;
	[tilespmem:$0x2800] =	vst v63  }
0x13: {  	s23 =	simm.s32 $0x40;
	s22 =	simm.s32 $0x0  }
0x14: {  	[tilespmem:s12], [sflag:$0x1] =	stream.linear.gather [hbm4b:s5+s2], $0x800, $0x38;
	[tilespmem:$0x2800] =	vst v63  }
.LBB2_2:
0x15: {  	p0 =	sne.s32 s23, $0xFC0;
	[tilespmem:s22+$0x2400] =	vst v0;
	s24 =	smov.u32 s23;
	s23 =	sadd.s32 $0x40, s23  }
.Ltmp0:
0x16: {  	[tilespmem:s22+$0x2000] =	vst v0;
	(pc) =	sbr.rel @p0 .LBB2_2-.Ltmp0, $3  }
0x17: {  	[tilespmem:s22+$0x1800] =	vst v0  }
0x18: {  	[tilespmem:s22+$0x1C00] =	vst v0;
	_ =	sdelay $0x1  }
0x19: {  	s22 =	sshra.s32 s24, $0x2  }
0x1a: {  	[tilespmem:s22+$0x2400] =	vst v0  }
0x1b: {  	[tilespmem:s22+$0x2000] =	vst v0  }
0x1c: {  	[tilespmem:s22+$0x1800] =	vst v0  }
0x1d: {  	[tilespmem:s22+$0x1C00] =	vst v0  }
0x1e: {  	_ =	swait.ge [sflag:s13], $0x800  }
0x1f: {  	[sflag:s13] =	ssyncset.done $0x0  }
0x20: {  	[sflag:s13] =	ssyncadd.s32 $0xFFFFF800  }
0x21: {  	_ =	swait.ge [sflag:s13], $0x800  }
0x22: {  	[sflag:s13] =	ssyncset.done $0x0  }
0x23: {  	[sflag:s13] =	ssyncadd.s32 $0xFFFFF800  }
0x24: {  	_ =	swait.ge [sflag:s13], $0x800  }
0x25: {  	[sflag:s13] =	ssyncset.done $0x0  }
0x26: {  	s31 =	simm.s32 $0x0;
	[sflag:s13] =	ssyncadd.s32 $0xFFFFF800  }
0x27: {  	v2 =	vld [tilespmem:s31+$0x1000]  }
0x28: {  	v4 =	vld [tilespmem:s31+$0x0]  }
0x29: {  	s22 =	simm.s32 $0x40;
	v3 =	vld [tilespmem:s31+$0x800]  }
.LBB2_4:
0x2a: {  	p0 =	sne.s32 s22, $0x1FC0;
	_ =	sdelay $0x4  }
0x2b: {  	v5 =	vmul.f32 v4, v4;
	[tilespmem:v2+s14+$0x0] =	vst.idx.add.f32.msk $0xffff, v1  }
0x2c: {  	[tilespmem:v2+s15+$0x0] =	vst.idx.add.f32.msk $0xffff, v4  }
.Ltmp1:
0x2d: {  	[tilespmem:v2+s16+$0x0] =	vst.idx.add.f32.msk $0xffff, v5;
	(pc) =	sbr.rel @p0 .LBB2_4-.Ltmp1, $4  }
0x2e: {  	s23 =	sshra.s32 s22, $0x2;
	[tilespmem:v2+s17+$0x0] =	vst.idx.add.f32.msk $0xffff, v3  }
0x2f: {  	v2 =	vld [tilespmem:s23+$0x1000]  }
0x30: {  	v4 =	vld [tilespmem:s23+$0x0]  }
0x31: {  	s22 =	sadd.s32 $0x40, s22;
	v3 =	vld [tilespmem:s23+$0x800]  }
0x32: {  	_ =	sdelay $0x5  }
0x33: {  	[tilespmem:v2+s14+$0x0] =	vst.idx.add.f32.msk $0xffff, v1;
	v5 =	vmul.f32 v4, v4  }
0x34: {  	[tilespmem:v2+s15+$0x0] =	vst.idx.add.f32.msk $0xffff, v4  }
0x35: {  	[tilespmem:v2+s16+$0x0] =	vst.idx.add.f32.msk $0xffff, v5  }
0x36: {  	[tilespmem:v2+s17+$0x0] =	vst.idx.add.f32.msk $0xffff, v3  }
0x37: {  	[hbm4b:s6+s18] =	stream.strided.scatter [tilespmem:s14], [sflag:$0x2], $0x400, s19, s18, $0x38;
	[tilespmem:$0x2800] =	vst v63  }
0x38: {  	_ = 	snop  }
0x39: {  	[hbm4b:s7+s18] =	stream.strided.scatter [tilespmem:s15], [sflag:$0x2], $0x400, s19, s18, $0x38;
	[tilespmem:$0x2800] =	vst v63  }
0x3a: {  	_ = 	snop  }
0x3b: {  	[hbm4b:s8+s18] =	stream.strided.scatter [tilespmem:s16], [sflag:$0x2], $0x400, s19, s18, $0x38;
	[tilespmem:$0x2800] =	vst v63  }
0x3c: {  	_ = 	snop  }
0x3d: {  	[hbm4b:s9+s18] =	stream.strided.scatter [tilespmem:s17], [sflag:$0x2], $0x400, s19, s18, $0x38;
	[tilespmem:$0x2800] =	vst v63  }
0x3e: {  	_ =	swait.ge [sflag:s20], $0x400  }
0x3f: {  	[sflag:s20] =	ssyncset.done $0x0  }
0x40: {  	[sflag:s20] =	ssyncadd.s32 $0xFFFFFC00  }
0x41: {  	_ =	swait.ge [sflag:s20], $0x400  }
0x42: {  	[sflag:s20] =	ssyncset.done $0x0  }
0x43: {  	s21 =	sadd.s32 $0x1, s21;
	[sflag:s20] =	ssyncadd.s32 $0xFFFFFC00  }
0x44: {  	p0 =	sne.s32 s21, s10;
	_ =	swait.ge [sflag:s20], $0x400  }
.Ltmp2:
0x45: {  	[sflag:s20] =	ssyncset.done $0x0;
	(pc) =	sbr.rel @p0 .LBB2_1-.Ltmp2, $4  }
0x46: {  	[sflag:s20] =	ssyncadd.s32 $0xFFFFFC00  }
0x47: {  	_ =	swait.ge [sflag:s20], $0x400  }
0x48: {  	[sflag:s20] =	ssyncset.done $0x0  }
0x49: {  	[sflag:s20] =	ssyncadd.s32 $0xFFFFFC00  }
0x4a: {  	_ =	sfence.sel $0x180000  }
0x4b: {  	[bflag:$0x0] =	sbarrier.arrive $0xFFFF  }
0x4c: {  	p0 =	sne.s32 s1, $0x0;
	_ =	strace $0x90000047  }
0x4d: {  	s0 =	sadd.s32 @!p0 $0x100000, s0;
	[bflag:$0x2] =	sbarrier.arrive $0xFFFF  }
0x4e: {  	[sflag:s0] =	ssyncadd.tile.s32 @!p0 $0x1;
	_ =	shalt  }
.Lfunc_end2:
_tile_overlayer_lowered:
.L_overlay_start_2:
0x4f: {  	(tag) =	ssettag $0x2  }
0x50: {  	s0 =	rddreg [dreg:$0x0];
	s2 =	stileid.u32  }
0x51: {  	s1 =	rddreg [dreg:$0x1];
	p0 =	sne.s32 s2, $0x0  }
0x52: {  	s3 =	rddreg [dreg:$0x2];
	[bflag:$0x3] =	sbarrier.arrive $0xFFFF;
	s2 =	simm.s32 @!p0 $0x1C03  }
0x53: {  	[timem:s3], [sflag:s2] =	dma.local @!p0 [hbm:s0], s1  }
0x54: {  	s0 =	simm.s32 @!p0 $0x3  }
0x55: {  	_ =	swait.ge @!p0 [sflag:s0], s1  }
0x56: {  	s1 =	ssub.s32 @!p0 $0x0, s1;
	[sflag:s0] =	ssyncset.done @!p0 $0x0  }
0x57: {  	[sflag:s0] =	ssyncadd.s32 @!p0 s1  }
0x58: {  	[bflag:$0x3] =	sbarrier.arrive $0xFFFF  }
0x59: {  	_ =	shalt  }

</sc_bundles>
